<compile_context>
chip_gen: v7x
topology: tpu7x:2x2x1
jax: 0.10.2.dev20260603
libtpu: 0.0.44.dev20260713+nightly
codegen_flags: <defaults>
</compile_context>

<pallas_src>
import functools

import jax
import jax.numpy as jnp
from jax import lax
from jax.experimental import pallas as pl
from jax.experimental.pallas import tpu as pltpu
from jax.experimental.pallas import tpu_sc as plsc

_N = 32
_F = 3 * 512 * 512
_TOTAL = _N * _F
_COPY = (_N - 1) * _F
_NW = 32
_CHUNK = _COPY // _NW
_XCHUNK = _F // _NW
_K = 16
_B = _CHUNK // _K

_mesh = plsc.VectorSubcoreMesh(core_axis_name="c", subcore_axis_name="s")


@functools.partial(
    pl.kernel,
    mesh=_mesh,
    out_type=jax.ShapeDtypeStruct((_TOTAL,), jnp.float32),
    scratch_types=[
        pltpu.SemaphoreType.DMA,
        pltpu.SemaphoreType.DMA,
    ],
)
def _ring_update(x_hbm, t_hbm, out_hbm, sem, sx):
    wid = lax.axis_index("s") * 2 + lax.axis_index("c")
    base = pl.multiple_of(wid * _CHUNK, 8)
    xb = pl.multiple_of(wid * _XCHUNK, 8)

    def copy_k(k):
        return pltpu.make_async_copy(
            t_hbm.at[pl.ds(_F + base + k * _B, _B)],
            out_hbm.at[pl.ds(base + k * _B, _B)], sem)

    x_copy = pltpu.make_async_copy(
        x_hbm.at[pl.ds(xb, _XCHUNK)],
        out_hbm.at[pl.ds(_COPY + xb, _XCHUNK)], sx)
    x_copy.start()
    for k in range(_K):
        copy_k(k).start()
    for k in range(_K):
        copy_k(k).wait()
    x_copy.wait()


def kernel(x, tensors):
    out = _ring_update(x.reshape(-1), tensors.reshape(-1))
    return out.reshape(tensors.shape)

# --- scband reference (transcript-rebuilt; emitter-appended) ---
"""Pipeline reference for scband-image-buffer-fast-5772436046256 (READ-ONLY COPY).

The authoritative reference and input builder live on the scoring server;
editing this copy changes nothing except your own understanding.
"""

import jax, jax.numpy as jnp
import numpy as np


def setup_inputs(seed: int = 0) -> dict:
    key = jax.random.key(seed)
    x = jax.random.normal(key, (3, 512, 512), dtype=jnp.float32)
    # persistent buffer state registered in the torch module (buffer, not a weight)
    tensors = jnp.zeros((32, 3, 512, 512), dtype=jnp.float32)
    return {"x": x, "tensors": tensors}


def reference(x, tensors):
    # torch: self.tensors = torch.roll(self.tensors, shifts=-1, dims=0); self.tensors[-1] = x
    rolled = jnp.roll(tensors, shift=-1, axis=0)
    out = rolled.at[-1].set(x)
    return out

if __name__ == "__main__":
    import jax
    _d = setup_inputs()
    print(jax.jit(kernel)(*tuple(_d.values())))

</pallas_src>

<mosaic_0001>
#map = affine_map<(d0, d1) -> (0)>
module attributes {stable_mosaic.version = 14 : i64} {
  func.func @_ring_update(%arg0: i32, %arg1: i32, %arg2: memref<786432xf32, #tpu.memory_space<hbm>>, %arg3: memref<25165824xf32, #tpu.memory_space<hbm>>, %arg4: memref<25165824xf32, #tpu.memory_space<hbm>>, %arg5: memref<!tpu.dma_semaphore, #tpu.memory_space<semaphore_mem>>, %arg6: memref<!tpu.dma_semaphore, #tpu.memory_space<semaphore_mem>>) attributes {dimension_semantics = [#tpu.dimension_semantics<core_parallel>, #tpu.dimension_semantics<subcore_parallel>], iteration_bounds = array<i64: 2, 16>, scalar_prefetch = 0 : i64, scratch_operands = 2 : i64, tpu.core_type = #tpu.core_type<sc_vector_subcore>, window_params = [{transform_indices = #map}, {transform_indices = #map}, {transform_indices = #map}]} {
    %mul3A = arith.constant 2 : i32
    %mul3A_0 = arith.muli %arg1, %mul3A : i32
    %add3A = arith.addi %mul3A_0, %arg0 : i32
    %mul3A_1 = arith.constant 761856 : i32
    %mul3A_2 = arith.muli %add3A, %mul3A_1 : i32
    %multiple_of3A = tpu.assume_multiple %mul3A_2, 8 : i32
    %mul3A_3 = arith.constant 24576 : i32
    %mul3A_4 = arith.muli %add3A, %mul3A_3 : i32
    %multiple_of3A_5 = tpu.assume_multiple %mul3A_4, 8 : i32
    %add3A_6 = arith.constant 24379392 : i32
    %add3A_7 = arith.addi %add3A_6, %multiple_of3A_5 : i32
    %dma_start3A = tpu.memref_slice %arg4[%add3A_7] : memref<25165824xf32, #tpu.memory_space<hbm>> -> memref<24576xf32, #tpu.memory_space<hbm>>
    %dma_start3A_8 = tpu.memref_slice %arg2[%multiple_of3A_5] : memref<786432xf32, #tpu.memory_space<hbm>> -> memref<24576xf32, #tpu.memory_space<hbm>>
    tpu.enqueue_dma source(%dma_start3A_8 : memref<24576xf32, #tpu.memory_space<hbm>>) target(%dma_start3A : memref<24576xf32, #tpu.memory_space<hbm>>) target_semaphore(%arg6 : memref<!tpu.dma_semaphore, #tpu.memory_space<semaphore_mem>>)
    %add3A_9 = arith.constant 786432 : i32
    %add3A_10 = arith.addi %add3A_9, %multiple_of3A : i32
    %add3A_11 = arith.constant 0 : i32
    %add3A_12 = arith.addi %add3A_10, %add3A_11 : i32
    %add3A_13 = arith.constant 0 : i32
    %add3A_14 = arith.addi %multiple_of3A, %add3A_13 : i32
    %dma_start3A_15 = tpu.memref_slice %arg4[%add3A_14] : memref<25165824xf32, #tpu.memory_space<hbm>> -> memref<47616xf32, #tpu.memory_space<hbm>>
    %dma_start3A_16 = tpu.memref_slice %arg3[%add3A_12] : memref<25165824xf32, #tpu.memory_space<hbm>> -> memref<47616xf32, #tpu.memory_space<hbm>>
    tpu.enqueue_dma source(%dma_start3A_16 : memref<47616xf32, #tpu.memory_space<hbm>>) target(%dma_start3A_15 : memref<47616xf32, #tpu.memory_space<hbm>>) target_semaphore(%arg5 : memref<!tpu.dma_semaphore, #tpu.memory_space<semaphore_mem>>)
    %add3A_17 = arith.constant 786432 : i32
    %add3A_18 = arith.addi %add3A_17, %multiple_of3A : i32
    %add3A_19 = arith.constant 47616 : i32
    %add3A_20 = arith.addi %add3A_18, %add3A_19 : i32
    %add3A_21 = arith.constant 47616 : i32
    %add3A_22 = arith.addi %multiple_of3A, %add3A_21 : i32
    %dma_start3A_23 = tpu.memref_slice %arg4[%add3A_22] : memref<25165824xf32, #tpu.memory_space<hbm>> -> memref<47616xf32, #tpu.memory_space<hbm>>
    %dma_start3A_24 = tpu.memref_slice %arg3[%add3A_20] : memref<25165824xf32, #tpu.memory_space<hbm>> -> memref<47616xf32, #tpu.memory_space<hbm>>
    tpu.enqueue_dma source(%dma_start3A_24 : memref<47616xf32, #tpu.memory_space<hbm>>) target(%dma_start3A_23 : memref<47616xf32, #tpu.memory_space<hbm>>) target_semaphore(%arg5 : memref<!tpu.dma_semaphore, #tpu.memory_space<semaphore_mem>>)
    %add3A_25 = arith.constant 786432 : i32
    %add3A_26 = arith.addi %add3A_25, %multiple_of3A : i32
    %add3A_27 = arith.constant 95232 : i32
    %add3A_28 = arith.addi %add3A_26, %add3A_27 : i32
    %add3A_29 = arith.constant 95232 : i32
    %add3A_30 = arith.addi %multiple_of3A, %add3A_29 : i32
    %dma_start3A_31 = tpu.memref_slice %arg4[%add3A_30] : memref<25165824xf32, #tpu.memory_space<hbm>> -> memref<47616xf32, #tpu.memory_space<hbm>>
    %dma_start3A_32 = tpu.memref_slice %arg3[%add3A_28] : memref<25165824xf32, #tpu.memory_space<hbm>> -> memref<47616xf32, #tpu.memory_space<hbm>>
    tpu.enqueue_dma source(%dma_start3A_32 : memref<47616xf32, #tpu.memory_space<hbm>>) target(%dma_start3A_31 : memref<47616xf32, #tpu.memory_space<hbm>>) target_semaphore(%arg5 : memref<!tpu.dma_semaphore, #tpu.memory_space<semaphore_mem>>)
    %add3A_33 = arith.constant 786432 : i32
    %add3A_34 = arith.addi %add3A_33, %multiple_of3A : i32
    %add3A_35 = arith.constant 142848 : i32
    %add3A_36 = arith.addi %add3A_34, %add3A_35 : i32
    %add3A_37 = arith.constant 142848 : i32
    %add3A_38 = arith.addi %multiple_of3A, %add3A_37 : i32
    %dma_start3A_39 = tpu.memref_slice %arg4[%add3A_38] : memref<25165824xf32, #tpu.memory_space<hbm>> -> memref<47616xf32, #tpu.memory_space<hbm>>
    %dma_start3A_40 = tpu.memref_slice %arg3[%add3A_36] : memref<25165824xf32, #tpu.memory_space<hbm>> -> memref<47616xf32, #tpu.memory_space<hbm>>
    tpu.enqueue_dma source(%dma_start3A_40 : memref<47616xf32, #tpu.memory_space<hbm>>) target(%dma_start3A_39 : memref<47616xf32, #tpu.memory_space<hbm>>) target_semaphore(%arg5 : memref<!tpu.dma_semaphore, #tpu.memory_space<semaphore_mem>>)
    %add3A_41 = arith.constant 786432 : i32
    %add3A_42 = arith.addi %add3A_41, %multiple_of3A : i32
    %add3A_43 = arith.constant 190464 : i32
    %add3A_44 = arith.addi %add3A_42, %add3A_43 : i32
    %add3A_45 = arith.constant 190464 : i32
    %add3A_46 = arith.addi %multiple_of3A, %add3A_45 : i32
    %dma_start3A_47 = tpu.memref_slice %arg4[%add3A_46] : memref<25165824xf32, #tpu.memory_space<hbm>> -> memref<47616xf32, #tpu.memory_space<hbm>>
    %dma_start3A_48 = tpu.memref_slice %arg3[%add3A_44] : memref<25165824xf32, #tpu.memory_space<hbm>> -> memref<47616xf32, #tpu.memory_space<hbm>>
    tpu.enqueue_dma source(%dma_start3A_48 : memref<47616xf32, #tpu.memory_space<hbm>>) target(%dma_start3A_47 : memref<47616xf32, #tpu.memory_space<hbm>>) target_semaphore(%arg5 : memref<!tpu.dma_semaphore, #tpu.memory_space<semaphore_mem>>)
    %add3A_49 = arith.constant 786432 : i32
    %add3A_50 = arith.addi %add3A_49, %multiple_of3A : i32
    %add3A_51 = arith.constant 238080 : i32
    %add3A_52 = arith.addi %add3A_50, %add3A_51 : i32
    %add3A_53 = arith.constant 238080 : i32
    %add3A_54 = arith.addi %multiple_of3A, %add3A_53 : i32
    %dma_start3A_55 = tpu.memref_slice %arg4[%add3A_54] : memref<25165824xf32, #tpu.memory_space<hbm>> -> memref<47616xf32, #tpu.memory_space<hbm>>
    %dma_start3A_56 = tpu.memref_slice %arg3[%add3A_52] : memref<25165824xf32, #tpu.memory_space<hbm>> -> memref<47616xf32, #tpu.memory_space<hbm>>
    tpu.enqueue_dma source(%dma_start3A_56 : memref<47616xf32, #tpu.memory_space<hbm>>) target(%dma_start3A_55 : memref<47616xf32, #tpu.memory_space<hbm>>) target_semaphore(%arg5 : memref<!tpu.dma_semaphore, #tpu.memory_space<semaphore_mem>>)
    %add3A_57 = arith.constant 786432 : i32
    %add3A_58 = arith.addi %add3A_57, %multiple_of3A : i32
    %add3A_59 = arith.constant 285696 : i32
    %add3A_60 = arith.addi %add3A_58, %add3A_59 : i32
    %add3A_61 = arith.constant 285696 : i32
    %add3A_62 = arith.addi %multiple_of3A, %add3A_61 : i32
    %dma_start3A_63 = tpu.memref_slice %arg4[%add3A_62] : memref<25165824xf32, #tpu.memory_space<hbm>> -> memref<47616xf32, #tpu.memory_space<hbm>>
    %dma_start3A_64 = tpu.memref_slice %arg3[%add3A_60] : memref<25165824xf32, #tpu.memory_space<hbm>> -> memref<47616xf32, #tpu.memory_space<hbm>>
    tpu.enqueue_dma source(%dma_start3A_64 : memref<47616xf32, #tpu.memory_space<hbm>>) target(%dma_start3A_63 : memref<47616xf32, #tpu.memory_space<hbm>>) target_semaphore(%arg5 : memref<!tpu.dma_semaphore, #tpu.memory_space<semaphore_mem>>)
    %add3A_65 = arith.constant 786432 : i32
    %add3A_66 = arith.addi %add3A_65, %multiple_of3A : i32
    %add3A_67 = arith.constant 333312 : i32
    %add3A_68 = arith.addi %add3A_66, %add3A_67 : i32
    %add3A_69 = arith.constant 333312 : i32
    %add3A_70 = arith.addi %multiple_of3A, %add3A_69 : i32
    %dma_start3A_71 = tpu.memref_slice %arg4[%add3A_70] : memref<25165824xf32, #tpu.memory_space<hbm>> -> memref<47616xf32, #tpu.memory_space<hbm>>
    %dma_start3A_72 = tpu.memref_slice %arg3[%add3A_68] : memref<25165824xf32, #tpu.memory_space<hbm>> -> memref<47616xf32, #tpu.memory_space<hbm>>
    tpu.enqueue_dma source(%dma_start3A_72 : memref<47616xf32, #tpu.memory_space<hbm>>) target(%dma_start3A_71 : memref<47616xf32, #tpu.memory_space<hbm>>) target_semaphore(%arg5 : memref<!tpu.dma_semaphore, #tpu.memory_space<semaphore_mem>>)
    %add3A_73 = arith.constant 786432 : i32
    %add3A_74 = arith.addi %add3A_73, %multiple_of3A : i32
    %add3A_75 = arith.constant 380928 : i32
    %add3A_76 = arith.addi %add3A_74, %add3A_75 : i32
    %add3A_77 = arith.constant 380928 : i32
    %add3A_78 = arith.addi %multiple_of3A, %add3A_77 : i32
    %dma_start3A_79 = tpu.memref_slice %arg4[%add3A_78] : memref<25165824xf32, #tpu.memory_space<hbm>> -> memref<47616xf32, #tpu.memory_space<hbm>>
    %dma_start3A_80 = tpu.memref_slice %arg3[%add3A_76] : memref<25165824xf32, #tpu.memory_space<hbm>> -> memref<47616xf32, #tpu.memory_space<hbm>>
    tpu.enqueue_dma source(%dma_start3A_80 : memref<47616xf32, #tpu.memory_space<hbm>>) target(%dma_start3A_79 : memref<47616xf32, #tpu.memory_space<hbm>>) target_semaphore(%arg5 : memref<!tpu.dma_semaphore, #tpu.memory_space<semaphore_mem>>)
    %add3A_81 = arith.constant 786432 : i32
    %add3A_82 = arith.addi %add3A_81, %multiple_of3A : i32
    %add3A_83 = arith.constant 428544 : i32
    %add3A_84 = arith.addi %add3A_82, %add3A_83 : i32
    %add3A_85 = arith.constant 428544 : i32
    %add3A_86 = arith.addi %multiple_of3A, %add3A_85 : i32
    %dma_start3A_87 = tpu.memref_slice %arg4[%add3A_86] : memref<25165824xf32, #tpu.memory_space<hbm>> -> memref<47616xf32, #tpu.memory_space<hbm>>
    %dma_start3A_88 = tpu.memref_slice %arg3[%add3A_84] : memref<25165824xf32, #tpu.memory_space<hbm>> -> memref<47616xf32, #tpu.memory_space<hbm>>
    tpu.enqueue_dma source(%dma_start3A_88 : memref<47616xf32, #tpu.memory_space<hbm>>) target(%dma_start3A_87 : memref<47616xf32, #tpu.memory_space<hbm>>) target_semaphore(%arg5 : memref<!tpu.dma_semaphore, #tpu.memory_space<semaphore_mem>>)
    %add3A_89 = arith.constant 786432 : i32
    %add3A_90 = arith.addi %add3A_89, %multiple_of3A : i32
    %add3A_91 = arith.constant 476160 : i32
    %add3A_92 = arith.addi %add3A_90, %add3A_91 : i32
    %add3A_93 = arith.constant 476160 : i32
    %add3A_94 = arith.addi %multiple_of3A, %add3A_93 : i32
    %dma_start3A_95 = tpu.memref_slice %arg4[%add3A_94] : memref<25165824xf32, #tpu.memory_space<hbm>> -> memref<47616xf32, #tpu.memory_space<hbm>>
    %dma_start3A_96 = tpu.memref_slice %arg3[%add3A_92] : memref<25165824xf32, #tpu.memory_space<hbm>> -> memref<47616xf32, #tpu.memory_space<hbm>>
    tpu.enqueue_dma source(%dma_start3A_96 : memref<47616xf32, #tpu.memory_space<hbm>>) target(%dma_start3A_95 : memref<47616xf32, #tpu.memory_space<hbm>>) target_semaphore(%arg5 : memref<!tpu.dma_semaphore, #tpu.memory_space<semaphore_mem>>)
    %add3A_97 = arith.constant 786432 : i32
    %add3A_98 = arith.addi %add3A_97, %multiple_of3A : i32
    %add3A_99 = arith.constant 523776 : i32
    %add3A_100 = arith.addi %add3A_98, %add3A_99 : i32
    %add3A_101 = arith.constant 523776 : i32
    %add3A_102 = arith.addi %multiple_of3A, %add3A_101 : i32
    %dma_start3A_103 = tpu.memref_slice %arg4[%add3A_102] : memref<25165824xf32, #tpu.memory_space<hbm>> -> memref<47616xf32, #tpu.memory_space<hbm>>
    %dma_start3A_104 = tpu.memref_slice %arg3[%add3A_100] : memref<25165824xf32, #tpu.memory_space<hbm>> -> memref<47616xf32, #tpu.memory_space<hbm>>
    tpu.enqueue_dma source(%dma_start3A_104 : memref<47616xf32, #tpu.memory_space<hbm>>) target(%dma_start3A_103 : memref<47616xf32, #tpu.memory_space<hbm>>) target_semaphore(%arg5 : memref<!tpu.dma_semaphore, #tpu.memory_space<semaphore_mem>>)
    %add3A_105 = arith.constant 786432 : i32
    %add3A_106 = arith.addi %add3A_105, %multiple_of3A : i32
    %add3A_107 = arith.constant 571392 : i32
    %add3A_108 = arith.addi %add3A_106, %add3A_107 : i32
    %add3A_109 = arith.constant 571392 : i32
    %add3A_110 = arith.addi %multiple_of3A, %add3A_109 : i32
    %dma_start3A_111 = tpu.memref_slice %arg4[%add3A_110] : memref<25165824xf32, #tpu.memory_space<hbm>> -> memref<47616xf32, #tpu.memory_space<hbm>>
    %dma_start3A_112 = tpu.memref_slice %arg3[%add3A_108] : memref<25165824xf32, #tpu.memory_space<hbm>> -> memref<47616xf32, #tpu.memory_space<hbm>>
    tpu.enqueue_dma source(%dma_start3A_112 : memref<47616xf32, #tpu.memory_space<hbm>>) target(%dma_start3A_111 : memref<47616xf32, #tpu.memory_space<hbm>>) target_semaphore(%arg5 : memref<!tpu.dma_semaphore, #tpu.memory_space<semaphore_mem>>)
    %add3A_113 = arith.constant 786432 : i32
    %add3A_114 = arith.addi %add3A_113, %multiple_of3A : i32
    %add3A_115 = arith.constant 619008 : i32
    %add3A_116 = arith.addi %add3A_114, %add3A_115 : i32
    %add3A_117 = arith.constant 619008 : i32
    %add3A_118 = arith.addi %multiple_of3A, %add3A_117 : i32
    %dma_start3A_119 = tpu.memref_slice %arg4[%add3A_118] : memref<25165824xf32, #tpu.memory_space<hbm>> -> memref<47616xf32, #tpu.memory_space<hbm>>
    %dma_start3A_120 = tpu.memref_slice %arg3[%add3A_116] : memref<25165824xf32, #tpu.memory_space<hbm>> -> memref<47616xf32, #tpu.memory_space<hbm>>
    tpu.enqueue_dma source(%dma_start3A_120 : memref<47616xf32, #tpu.memory_space<hbm>>) target(%dma_start3A_119 : memref<47616xf32, #tpu.memory_space<hbm>>) target_semaphore(%arg5 : memref<!tpu.dma_semaphore, #tpu.memory_space<semaphore_mem>>)
    %add3A_121 = arith.constant 786432 : i32
    %add3A_122 = arith.addi %add3A_121, %multiple_of3A : i32
    %add3A_123 = arith.constant 666624 : i32
    %add3A_124 = arith.addi %add3A_122, %add3A_123 : i32
    %add3A_125 = arith.constant 666624 : i32
    %add3A_126 = arith.addi %multiple_of3A, %add3A_125 : i32
    %dma_start3A_127 = tpu.memref_slice %arg4[%add3A_126] : memref<25165824xf32, #tpu.memory_space<hbm>> -> memref<47616xf32, #tpu.memory_space<hbm>>
    %dma_start3A_128 = tpu.memref_slice %arg3[%add3A_124] : memref<25165824xf32, #tpu.memory_space<hbm>> -> memref<47616xf32, #tpu.memory_space<hbm>>
    tpu.enqueue_dma source(%dma_start3A_128 : memref<47616xf32, #tpu.memory_space<hbm>>) target(%dma_start3A_127 : memref<47616xf32, #tpu.memory_space<hbm>>) target_semaphore(%arg5 : memref<!tpu.dma_semaphore, #tpu.memory_space<semaphore_mem>>)
    %add3A_129 = arith.constant 786432 : i32
    %add3A_130 = arith.addi %add3A_129, %multiple_of3A : i32
    %add3A_131 = arith.constant 714240 : i32
    %add3A_132 = arith.addi %add3A_130, %add3A_131 : i32
    %add3A_133 = arith.constant 714240 : i32
    %add3A_134 = arith.addi %multiple_of3A, %add3A_133 : i32
    %dma_start3A_135 = tpu.memref_slice %arg4[%add3A_134] : memref<25165824xf32, #tpu.memory_space<hbm>> -> memref<47616xf32, #tpu.memory_space<hbm>>
    %dma_start3A_136 = tpu.memref_slice %arg3[%add3A_132] : memref<25165824xf32, #tpu.memory_space<hbm>> -> memref<47616xf32, #tpu.memory_space<hbm>>
    tpu.enqueue_dma source(%dma_start3A_136 : memref<47616xf32, #tpu.memory_space<hbm>>) target(%dma_start3A_135 : memref<47616xf32, #tpu.memory_space<hbm>>) target_semaphore(%arg5 : memref<!tpu.dma_semaphore, #tpu.memory_space<semaphore_mem>>)
    %add3A_137 = arith.constant 786432 : i32
    %add3A_138 = arith.addi %add3A_137, %multiple_of3A : i32
    %add3A_139 = arith.constant 0 : i32
    %add3A_140 = arith.addi %add3A_138, %add3A_139 : i32
    %add3A_141 = arith.constant 0 : i32
    %add3A_142 = arith.addi %multiple_of3A, %add3A_141 : i32
    %dma_wait3A = tpu.memref_slice %arg4[%add3A_142] : memref<25165824xf32, #tpu.memory_space<hbm>> -> memref<47616xf32, #tpu.memory_space<hbm>>
    %dma_wait3A_143 = tpu.memref_slice %arg3[%add3A_140] : memref<25165824xf32, #tpu.memory_space<hbm>> -> memref<47616xf32, #tpu.memory_space<hbm>>
    tpu.wait_dma2 semaphore(%arg5 : memref<!tpu.dma_semaphore, #tpu.memory_space<semaphore_mem>>) src(%dma_wait3A_143 : memref<47616xf32, #tpu.memory_space<hbm>>) dst(%dma_wait3A : memref<47616xf32, #tpu.memory_space<hbm>>)
    %add3A_144 = arith.constant 786432 : i32
    %add3A_145 = arith.addi %add3A_144, %multiple_of3A : i32
    %add3A_146 = arith.constant 47616 : i32
    %add3A_147 = arith.addi %add3A_145, %add3A_146 : i32
    %add3A_148 = arith.constant 47616 : i32
    %add3A_149 = arith.addi %multiple_of3A, %add3A_148 : i32
    %dma_wait3A_150 = tpu.memref_slice %arg4[%add3A_149] : memref<25165824xf32, #tpu.memory_space<hbm>> -> memref<47616xf32, #tpu.memory_space<hbm>>
    %dma_wait3A_151 = tpu.memref_slice %arg3[%add3A_147] : memref<25165824xf32, #tpu.memory_space<hbm>> -> memref<47616xf32, #tpu.memory_space<hbm>>
    tpu.wait_dma2 semaphore(%arg5 : memref<!tpu.dma_semaphore, #tpu.memory_space<semaphore_mem>>) src(%dma_wait3A_151 : memref<47616xf32, #tpu.memory_space<hbm>>) dst(%dma_wait3A_150 : memref<47616xf32, #tpu.memory_space<hbm>>)
    %add3A_152 = arith.constant 786432 : i32
    %add3A_153 = arith.addi %add3A_152, %multiple_of3A : i32
    %add3A_154 = arith.constant 95232 : i32
    %add3A_155 = arith.addi %add3A_153, %add3A_154 : i32
    %add3A_156 = arith.constant 95232 : i32
    %add3A_157 = arith.addi %multiple_of3A, %add3A_156 : i32
    %dma_wait3A_158 = tpu.memref_slice %arg4[%add3A_157] : memref<25165824xf32, #tpu.memory_space<hbm>> -> memref<47616xf32, #tpu.memory_space<hbm>>
    %dma_wait3A_159 = tpu.memref_slice %arg3[%add3A_155] : memref<25165824xf32, #tpu.memory_space<hbm>> -> memref<47616xf32, #tpu.memory_space<hbm>>
    tpu.wait_dma2 semaphore(%arg5 : memref<!tpu.dma_semaphore, #tpu.memory_space<semaphore_mem>>) src(%dma_wait3A_159 : memref<47616xf32, #tpu.memory_space<hbm>>) dst(%dma_wait3A_158 : memref<47616xf32, #tpu.memory_space<hbm>>)
    %add3A_160 = arith.constant 786432 : i32
    %add3A_161 = arith.addi %add3A_160, %multiple_of3A : i32
    %add3A_162 = arith.constant 142848 : i32
    %add3A_163 = arith.addi %add3A_161, %add3A_162 : i32
    %add3A_164 = arith.constant 142848 : i32
    %add3A_165 = arith.addi %multiple_of3A, %add3A_164 : i32
    %dma_wait3A_166 = tpu.memref_slice %arg4[%add3A_165] : memref<25165824xf32, #tpu.memory_space<hbm>> -> memref<47616xf32, #tpu.memory_space<hbm>>
    %dma_wait3A_167 = tpu.memref_slice %arg3[%add3A_163] : memref<25165824xf32, #tpu.memory_space<hbm>> -> memref<47616xf32, #tpu.memory_space<hbm>>
    tpu.wait_dma2 semaphore(%arg5 : memref<!tpu.dma_semaphore, #tpu.memory_space<semaphore_mem>>) src(%dma_wait3A_167 : memref<47616xf32, #tpu.memory_space<hbm>>) dst(%dma_wait3A_166 : memref<47616xf32, #tpu.memory_space<hbm>>)
    %add3A_168 = arith.constant 786432 : i32
    %add3A_169 = arith.addi %add3A_168, %multiple_of3A : i32
    %add3A_170 = arith.constant 190464 : i32
    %add3A_171 = arith.addi %add3A_169, %add3A_170 : i32
    %add3A_172 = arith.constant 190464 : i32
    %add3A_173 = arith.addi %multiple_of3A, %add3A_172 : i32
    %dma_wait3A_174 = tpu.memref_slice %arg4[%add3A_173] : memref<25165824xf32, #tpu.memory_space<hbm>> -> memref<47616xf32, #tpu.memory_space<hbm>>
    %dma_wait3A_175 = tpu.memref_slice %arg3[%add3A_171] : memref<25165824xf32, #tpu.memory_space<hbm>> -> memref<47616xf32, #tpu.memory_space<hbm>>
    tpu.wait_dma2 semaphore(%arg5 : memref<!tpu.dma_semaphore, #tpu.memory_space<semaphore_mem>>) src(%dma_wait3A_175 : memref<47616xf32, #tpu.memory_space<hbm>>) dst(%dma_wait3A_174 : memref<47616xf32, #tpu.memory_space<hbm>>)
    %add3A_176 = arith.constant 786432 : i32
    %add3A_177 = arith.addi %add3A_176, %multiple_of3A : i32
    %add3A_178 = arith.constant 238080 : i32
    %add3A_179 = arith.addi %add3A_177, %add3A_178 : i32
    %add3A_180 = arith.constant 238080 : i32
    %add3A_181 = arith.addi %multiple_of3A, %add3A_180 : i32
    %dma_wait3A_182 = tpu.memref_slice %arg4[%add3A_181] : memref<25165824xf32, #tpu.memory_space<hbm>> -> memref<47616xf32, #tpu.memory_space<hbm>>
    %dma_wait3A_183 = tpu.memref_slice %arg3[%add3A_179] : memref<25165824xf32, #tpu.memory_space<hbm>> -> memref<47616xf32, #tpu.memory_space<hbm>>
    tpu.wait_dma2 semaphore(%arg5 : memref<!tpu.dma_semaphore, #tpu.memory_space<semaphore_mem>>) src(%dma_wait3A_183 : memref<47616xf32, #tpu.memory_space<hbm>>) dst(%dma_wait3A_182 : memref<47616xf32, #tpu.memory_space<hbm>>)
    %add3A_184 = arith.constant 786432 : i32
    %add3A_185 = arith.addi %add3A_184, %multiple_of3A : i32
    %add3A_186 = arith.constant 285696 : i32
    %add3A_187 = arith.addi %add3A_185, %add3A_186 : i32
    %add3A_188 = arith.constant 285696 : i32
    %add3A_189 = arith.addi %multiple_of3A, %add3A_188 : i32
    %dma_wait3A_190 = tpu.memref_slice %arg4[%add3A_189] : memref<25165824xf32, #tpu.memory_space<hbm>> -> memref<47616xf32, #tpu.memory_space<hbm>>
    %dma_wait3A_191 = tpu.memref_slice %arg3[%add3A_187] : memref<25165824xf32, #tpu.memory_space<hbm>> -> memref<47616xf32, #tpu.memory_space<hbm>>
    tpu.wait_dma2 semaphore(%arg5 : memref<!tpu.dma_semaphore, #tpu.memory_space<semaphore_mem>>) src(%dma_wait3A_191 : memref<47616xf32, #tpu.memory_space<hbm>>) dst(%dma_wait3A_190 : memref<47616xf32, #tpu.memory_space<hbm>>)
    %add3A_192 = arith.constant 786432 : i32
    %add3A_193 = arith.addi %add3A_192, %multiple_of3A : i32
    %add3A_194 = arith.constant 333312 : i32
    %add3A_195 = arith.addi %add3A_193, %add3A_194 : i32
    %add3A_196 = arith.constant 333312 : i32
    %add3A_197 = arith.addi %multiple_of3A, %add3A_196 : i32
    %dma_wait3A_198 = tpu.memref_slice %arg4[%add3A_197] : memref<25165824xf32, #tpu.memory_space<hbm>> -> memref<47616xf32, #tpu.memory_space<hbm>>
    %dma_wait3A_199 = tpu.memref_slice %arg3[%add3A_195] : memref<25165824xf32, #tpu.memory_space<hbm>> -> memref<47616xf32, #tpu.memory_space<hbm>>
    tpu.wait_dma2 semaphore(%arg5 : memref<!tpu.dma_semaphore, #tpu.memory_space<semaphore_mem>>) src(%dma_wait3A_199 : memref<47616xf32, #tpu.memory_space<hbm>>) dst(%dma_wait3A_198 : memref<47616xf32, #tpu.memory_space<hbm>>)
    %add3A_200 = arith.constant 786432 : i32
    %add3A_201 = arith.addi %add3A_200, %multiple_of3A : i32
    %add3A_202 = arith.constant 380928 : i32
    %add3A_203 = arith.addi %add3A_201, %add3A_202 : i32
    %add3A_204 = arith.constant 380928 : i32
    %add3A_205 = arith.addi %multiple_of3A, %add3A_204 : i32
    %dma_wait3A_206 = tpu.memref_slice %arg4[%add3A_205] : memref<25165824xf32, #tpu.memory_space<hbm>> -> memref<47616xf32, #tpu.memory_space<hbm>>
    %dma_wait3A_207 = tpu.memref_slice %arg3[%add3A_203] : memref<25165824xf32, #tpu.memory_space<hbm>> -> memref<47616xf32, #tpu.memory_space<hbm>>
    tpu.wait_dma2 semaphore(%arg5 : memref<!tpu.dma_semaphore, #tpu.memory_space<semaphore_mem>>) src(%dma_wait3A_207 : memref<47616xf32, #tpu.memory_space<hbm>>) dst(%dma_wait3A_206 : memref<47616xf32, #tpu.memory_space<hbm>>)
    %add3A_208 = arith.constant 786432 : i32
    %add3A_209 = arith.addi %add3A_208, %multiple_of3A : i32
    %add3A_210 = arith.constant 428544 : i32
    %add3A_211 = arith.addi %add3A_209, %add3A_210 : i32
    %add3A_212 = arith.constant 428544 : i32
    %add3A_213 = arith.addi %multiple_of3A, %add3A_212 : i32
    %dma_wait3A_214 = tpu.memref_slice %arg4[%add3A_213] : memref<25165824xf32, #tpu.memory_space<hbm>> -> memref<47616xf32, #tpu.memory_space<hbm>>
    %dma_wait3A_215 = tpu.memref_slice %arg3[%add3A_211] : memref<25165824xf32, #tpu.memory_space<hbm>> -> memref<47616xf32, #tpu.memory_space<hbm>>
    tpu.wait_dma2 semaphore(%arg5 : memref<!tpu.dma_semaphore, #tpu.memory_space<semaphore_mem>>) src(%dma_wait3A_215 : memref<47616xf32, #tpu.memory_space<hbm>>) dst(%dma_wait3A_214 : memref<47616xf32, #tpu.memory_space<hbm>>)
    %add3A_216 = arith.constant 786432 : i32
    %add3A_217 = arith.addi %add3A_216, %multiple_of3A : i32
    %add3A_218 = arith.constant 476160 : i32
    %add3A_219 = arith.addi %add3A_217, %add3A_218 : i32
    %add3A_220 = arith.constant 476160 : i32
    %add3A_221 = arith.addi %multiple_of3A, %add3A_220 : i32
    %dma_wait3A_222 = tpu.memref_slice %arg4[%add3A_221] : memref<25165824xf32, #tpu.memory_space<hbm>> -> memref<47616xf32, #tpu.memory_space<hbm>>
    %dma_wait3A_223 = tpu.memref_slice %arg3[%add3A_219] : memref<25165824xf32, #tpu.memory_space<hbm>> -> memref<47616xf32, #tpu.memory_space<hbm>>
    tpu.wait_dma2 semaphore(%arg5 : memref<!tpu.dma_semaphore, #tpu.memory_space<semaphore_mem>>) src(%dma_wait3A_223 : memref<47616xf32, #tpu.memory_space<hbm>>) dst(%dma_wait3A_222 : memref<47616xf32, #tpu.memory_space<hbm>>)
    %add3A_224 = arith.constant 786432 : i32
    %add3A_225 = arith.addi %add3A_224, %multiple_of3A : i32
    %add3A_226 = arith.constant 523776 : i32
    %add3A_227 = arith.addi %add3A_225, %add3A_226 : i32
    %add3A_228 = arith.constant 523776 : i32
    %add3A_229 = arith.addi %multiple_of3A, %add3A_228 : i32
    %dma_wait3A_230 = tpu.memref_slice %arg4[%add3A_229] : memref<25165824xf32, #tpu.memory_space<hbm>> -> memref<47616xf32, #tpu.memory_space<hbm>>
    %dma_wait3A_231 = tpu.memref_slice %arg3[%add3A_227] : memref<25165824xf32, #tpu.memory_space<hbm>> -> memref<47616xf32, #tpu.memory_space<hbm>>
    tpu.wait_dma2 semaphore(%arg5 : memref<!tpu.dma_semaphore, #tpu.memory_space<semaphore_mem>>) src(%dma_wait3A_231 : memref<47616xf32, #tpu.memory_space<hbm>>) dst(%dma_wait3A_230 : memref<47616xf32, #tpu.memory_space<hbm>>)
    %add3A_232 = arith.constant 786432 : i32
    %add3A_233 = arith.addi %add3A_232, %multiple_of3A : i32
    %add3A_234 = arith.constant 571392 : i32
    %add3A_235 = arith.addi %add3A_233, %add3A_234 : i32
    %add3A_236 = arith.constant 571392 : i32
    %add3A_237 = arith.addi %multiple_of3A, %add3A_236 : i32
    %dma_wait3A_238 = tpu.memref_slice %arg4[%add3A_237] : memref<25165824xf32, #tpu.memory_space<hbm>> -> memref<47616xf32, #tpu.memory_space<hbm>>
    %dma_wait3A_239 = tpu.memref_slice %arg3[%add3A_235] : memref<25165824xf32, #tpu.memory_space<hbm>> -> memref<47616xf32, #tpu.memory_space<hbm>>
    tpu.wait_dma2 semaphore(%arg5 : memref<!tpu.dma_semaphore, #tpu.memory_space<semaphore_mem>>) src(%dma_wait3A_239 : memref<47616xf32, #tpu.memory_space<hbm>>) dst(%dma_wait3A_238 : memref<47616xf32, #tpu.memory_space<hbm>>)
    %add3A_240 = arith.constant 786432 : i32
    %add3A_241 = arith.addi %add3A_240, %multiple_of3A : i32
    %add3A_242 = arith.constant 619008 : i32
    %add3A_243 = arith.addi %add3A_241, %add3A_242 : i32
    %add3A_244 = arith.constant 619008 : i32
    %add3A_245 = arith.addi %multiple_of3A, %add3A_244 : i32
    %dma_wait3A_246 = tpu.memref_slice %arg4[%add3A_245] : memref<25165824xf32, #tpu.memory_space<hbm>> -> memref<47616xf32, #tpu.memory_space<hbm>>
    %dma_wait3A_247 = tpu.memref_slice %arg3[%add3A_243] : memref<25165824xf32, #tpu.memory_space<hbm>> -> memref<47616xf32, #tpu.memory_space<hbm>>
    tpu.wait_dma2 semaphore(%arg5 : memref<!tpu.dma_semaphore, #tpu.memory_space<semaphore_mem>>) src(%dma_wait3A_247 : memref<47616xf32, #tpu.memory_space<hbm>>) dst(%dma_wait3A_246 : memref<47616xf32, #tpu.memory_space<hbm>>)
    %add3A_248 = arith.constant 786432 : i32
    %add3A_249 = arith.addi %add3A_248, %multiple_of3A : i32
    %add3A_250 = arith.constant 666624 : i32
    %add3A_251 = arith.addi %add3A_249, %add3A_250 : i32
    %add3A_252 = arith.constant 666624 : i32
    %add3A_253 = arith.addi %multiple_of3A, %add3A_252 : i32
    %dma_wait3A_254 = tpu.memref_slice %arg4[%add3A_253] : memref<25165824xf32, #tpu.memory_space<hbm>> -> memref<47616xf32, #tpu.memory_space<hbm>>
    %dma_wait3A_255 = tpu.memref_slice %arg3[%add3A_251] : memref<25165824xf32, #tpu.memory_space<hbm>> -> memref<47616xf32, #tpu.memory_space<hbm>>
    tpu.wait_dma2 semaphore(%arg5 : memref<!tpu.dma_semaphore, #tpu.memory_space<semaphore_mem>>) src(%dma_wait3A_255 : memref<47616xf32, #tpu.memory_space<hbm>>) dst(%dma_wait3A_254 : memref<47616xf32, #tpu.memory_space<hbm>>)
    %add3A_256 = arith.constant 786432 : i32
    %add3A_257 = arith.addi %add3A_256, %multiple_of3A : i32
    %add3A_258 = arith.constant 714240 : i32
    %add3A_259 = arith.addi %add3A_257, %add3A_258 : i32
    %add3A_260 = arith.constant 714240 : i32
    %add3A_261 = arith.addi %multiple_of3A, %add3A_260 : i32
    %dma_wait3A_262 = tpu.memref_slice %arg4[%add3A_261] : memref<25165824xf32, #tpu.memory_space<hbm>> -> memref<47616xf32, #tpu.memory_space<hbm>>
    %dma_wait3A_263 = tpu.memref_slice %arg3[%add3A_259] : memref<25165824xf32, #tpu.memory_space<hbm>> -> memref<47616xf32, #tpu.memory_space<hbm>>
    tpu.wait_dma2 semaphore(%arg5 : memref<!tpu.dma_semaphore, #tpu.memory_space<semaphore_mem>>) src(%dma_wait3A_263 : memref<47616xf32, #tpu.memory_space<hbm>>) dst(%dma_wait3A_262 : memref<47616xf32, #tpu.memory_space<hbm>>)
    %dma_wait3A_264 = tpu.memref_slice %arg4[%add3A_7] : memref<25165824xf32, #tpu.memory_space<hbm>> -> memref<24576xf32, #tpu.memory_space<hbm>>
    %dma_wait3A_265 = tpu.memref_slice %arg2[%multiple_of3A_5] : memref<786432xf32, #tpu.memory_space<hbm>> -> memref<24576xf32, #tpu.memory_space<hbm>>
    tpu.wait_dma2 semaphore(%arg6 : memref<!tpu.dma_semaphore, #tpu.memory_space<semaphore_mem>>) src(%dma_wait3A_265 : memref<24576xf32, #tpu.memory_space<hbm>>) dst(%dma_wait3A_264 : memref<24576xf32, #tpu.memory_space<hbm>>)
    return
  }
}

</mosaic_0001>

<sc_bundles>
// kernel: kernel.3.cloned.1.call-start
scs
__scs_entry_jumppad:
0x0: {  	(pc) =	sbr.rel $0x88, $3  }
0x1: {  	(tag) =	ssettag $0x0;
	lr =	simm.s32 $0x1  }
0x2: {  	[smem:$0x3F9F] =	sst lr;
	_ =	strace $0xD0000000  }
0x3: {  	_ = 	snop  }
0x4: {  	_ = 	snop  }
0x5: {  	_ = 	snop  }
0x6: {  	_ = 	snop  }
0x7: {  	_ = 	snop  }
__scs_overlays_trampoline_lowered:
0x8: {  	[smem:$0x3FAE] =	sst s0  }
0x9: {  	[smem:$0x3FAF] =	sst s1  }
0xa: {  	[smem:$0x3FB0] =	sst s2  }
0xb: {  	[smem:$0x3FB1] =	sst s3  }
0xc: {  	[smem:$0x3FB2] =	sst s4  }
0xd: {  	[smem:$0x3FB3] =	sst s5  }
0xe: {  	[smem:$0x3FB4] =	sst s6  }
0xf: {  	[smem:$0x3FB5] =	sst s7  }
0x10: {  	[smem:$0x3FB6] =	sst s8  }
0x11: {  	[smem:$0x3FB7] =	sst s9;
	s0 =	simm.s32 @!p0 $0x0  }
0x12: {  	s1 =	sld [smem:$0x3F9D];
	s0 =	simm.s32 @p0 $0x1  }
0x13: {  	[smem:$0x3FB8] =	sst s0;
	s0 =	simm.s32 @!p1 $0x0  }
0x14: {  	s2 =	sld [smem:$0x3F9C];
	s0 =	simm.s32 @p1 $0x1  }
0x15: {  	[smem:$0x3FB9] =	sst s0;
	s0 =	simm.s32 @!p2 $0x0  }
0x16: {  	s3 =	sld [smem:$0x3FDB];
	s0 =	simm.s32 @p2 $0x1  }
0x17: {  	s4 =	simm.s32 $0x1BF5;
	[smem:$0x3FBB] =	sst s0  }
0x18: {  	s0 =	sld [smem:$0x3F9E];
	_ =	swait.ge [sflag:s4], $0x0  }
0x19: {  	s7 =	sld [smem:$0x3F9F]  }
0x1a: {  	s8 =	sadd.s32 $0xFFFFE003, lr  }
0x1b: {  	s9 =	sadd.s32 $0xFFFFFEF7, lr;
	s5 =	simm.s32 $0xFFFFFFFF;
	p2 =	slt.u32 s8, $0xFFFFF086  }
0x1c: {  	p1 =	slt.u32 s9, $0xF7A;
	s5 =	simm.s32 @!p2 $0x0  }
0x1d: {  	s5 =	simm.s32 @p1 $0x1;
	p0 =	seq.s32 s7, s2  }
0x1e: {  	s7 =	smul.u32 @!p0 $0xF7A, s2;
	p2 =	seq.s32 @!p0 s5, $0x0  }
0x1f: {  	s9 =	smul.u32 $0xF7A, s1;
	s8 =	simm.s32 @!p0 $0x1BF5;
	p2 =	por !p2, p0  }
0x20: {  	[sflag:s8] =	ssyncset.s32 @!p0 $0xFFFFF086;
	s6 =	sadd.s32 @!p0 s3, s7;
	s7 =	simm.s32 @!p0 $0x108  }
0x21: {  	s3 =	sadd.s32 s3, s9;
	s6 =	sadd.s32 @!p0 $0x88, s6;
	s7 =	simm.s32 @p2 $0x1082  }
0x22: {  	[simem:s7], [sflag:s8] =	dma.local @!p0 [hbm:s6], $0xF7A  }
0x23: {  	s9 =	sor.u32 $0xD0000000, s2;
	s6 =	simm.s32 $0x108;
	_ =	swait.ge @!p0 [sflag:s8], $0x0  }
0x24: {  	s3 =	sadd.s32 $0x88, s3;
	s6 =	simm.s32 @!p1 $0x1082;
	[sflag:s4] =	ssyncset.s32 $0xFFFFF086  }
0x25: {  	[simem:s6], [sflag:s4] =	dma.local [hbm:s3], $0xF7A  }
0x26: {  	[smem:$0x3F9F] =	sst s1;
	(tag) =	ssettag s2;
	_ =	strace s9  }
0x27: {  	s1 =	sld [smem:$0x3FAF]  }
0x28: {  	s2 =	sld [smem:$0x3FB0]  }
0x29: {  	s4 =	sld [smem:$0x3FB2]  }
0x2a: {  	p0 =	seq.s32 s5, $0x0;
	s5 =	sld [smem:$0x3FB3]  }
0x2b: {  	s6 =	sld [smem:$0x3FB4]  }
0x2c: {  	s7 =	sld [smem:$0x3FB5]  }
0x2d: {  	s3 =	simm.s32 $0x108;
	s8 =	sld [smem:$0x3FB6]  }
0x2e: {  	s3 =	simm.s32 @!p0 $0x1082;
	s9 =	sld [smem:$0x3FB7]  }
0x2f: {  	lr =	sadd.s32 s0, s3;
	s0 =	sld [smem:$0x3FAE]  }
0x30: {  	s3 =	sld [smem:$0x3FB1]  }
0x31: {  	[smem:$0x3FBA] =	sst s10  }
0x32: {  	s10 =	sld [smem:$0x3FB8];
	_ =	sdelay $0x3  }
0x33: {  	p0 =	seq.s32 s10, $0x1;
	s10 =	sld [smem:$0x3FBA];
	_ =	sdelay $0x3  }
0x34: {  	[smem:$0x3FBA] =	sst s10  }
0x35: {  	s10 =	sld [smem:$0x3FB9];
	_ =	sdelay $0x3  }
0x36: {  	p1 =	seq.s32 s10, $0x1;
	s10 =	sld [smem:$0x3FBA];
	_ =	sdelay $0x3  }
0x37: {  	[smem:$0x3FBA] =	sst s10  }
0x38: {  	s10 =	sld [smem:$0x3FBB]  }
0x39: {  	_ = 	snop;
	(pc) =	sbr.ind lr, $3  }
0x3a: {  	_ = 	snop  }
0x3b: {  	_ = 	snop  }
0x3c: {  	p2 =	seq.s32 s10, $0x1;
	s10 =	sld [smem:$0x3FBA]  }
0x3d: {  	_ =	shalt  }
0x3e: {  	_ =	shalt  }
0x3f: {  	_ =	shalt  }
0x40: {  	_ =	shalt  }
0x41: {  	_ =	shalt  }
0x42: {  	_ =	shalt  }
0x43: {  	_ =	shalt  }
0x44: {  	_ =	shalt  }
0x45: {  	_ =	shalt  }
0x46: {  	_ =	shalt  }
0x47: {  	_ =	shalt  }
0x48: {  	_ =	shalt  }
0x49: {  	_ =	shalt  }
0x4a: {  	_ =	shalt  }
0x4b: {  	_ =	shalt  }
0x4c: {  	_ =	shalt  }
0x4d: {  	_ =	shalt  }
0x4e: {  	_ =	shalt  }
0x4f: {  	_ =	shalt  }
0x50: {  	_ =	shalt  }
0x51: {  	_ =	shalt  }
0x52: {  	_ =	shalt  }
0x53: {  	_ =	shalt  }
0x54: {  	_ =	shalt  }
0x55: {  	_ =	shalt  }
0x56: {  	_ =	shalt  }
0x57: {  	_ =	shalt  }
0x58: {  	_ =	shalt  }
0x59: {  	_ =	shalt  }
0x5a: {  	_ =	shalt  }
0x5b: {  	_ =	shalt  }
0x5c: {  	_ =	shalt  }
0x5d: {  	_ =	shalt  }
0x5e: {  	_ =	shalt  }
0x5f: {  	_ =	shalt  }
0x60: {  	_ =	shalt  }
0x61: {  	_ =	shalt  }
0x62: {  	_ =	shalt  }
0x63: {  	_ =	shalt  }
0x64: {  	_ =	shalt  }
0x65: {  	_ =	shalt  }
0x66: {  	_ =	shalt  }
0x67: {  	_ =	shalt  }
0x68: {  	_ =	shalt  }
0x69: {  	_ =	shalt  }
0x6a: {  	_ =	shalt  }
0x6b: {  	_ =	shalt  }
0x6c: {  	_ =	shalt  }
0x6d: {  	_ =	shalt  }
0x6e: {  	_ =	shalt  }
0x6f: {  	_ =	shalt  }
0x70: {  	_ =	shalt  }
0x71: {  	_ =	shalt  }
0x72: {  	_ =	shalt  }
0x73: {  	_ =	shalt  }
0x74: {  	_ =	shalt  }
0x75: {  	_ =	shalt  }
0x76: {  	_ =	shalt  }
0x77: {  	_ =	shalt  }
0x78: {  	_ =	shalt  }
0x79: {  	_ =	shalt  }
0x7a: {  	_ =	shalt  }
0x7b: {  	_ =	shalt  }
0x7c: {  	_ =	shalt  }
0x7d: {  	_ =	shalt  }
0x7e: {  	_ =	shalt  }
0x7f: {  	_ =	shalt  }
0x80: {  	_ =	shalt  }
0x81: {  	_ =	shalt  }
0x82: {  	_ =	shalt  }
0x83: {  	_ =	shalt  }
0x84: {  	_ =	shalt  }
0x85: {  	_ =	shalt  }
0x86: {  	_ =	shalt  }
0x87: {  	_ =	shalt  }
.Lfunc_end0:
.L_simem_size_0:
called_computation.1_lowered:
.L_overlay_start_0:
0x88: {  	s2 =	sld [smem:$0x3FD9]  }
0x89: {  	s3 =	sld [smem:$0x3FFE];
	_ =	sdelay $0x1  }
0x8a: {  	s1 =	srdreg.scid  }
0x8b: {  	s0 =	sand.u32 $0x1, s1  }
0x8c: {  	s17 =	sshll.u32 s0, $0xA;
	s2 =	sadd.s32 s3, s2  }
0x8d: {  	s2 =	sadd.s32 s2, s17  }
0x8e: {  	[smem:$0x3FC6] =	sst s2  }
0x8f: {  	_ = 	snop  }
0x90: {  	s2 =	sld [smem:$0x3FD0];
	(tm) =	ssettm $0x1  }
0x91: {  	s18 =	sld [smem:$0x3FFB];
	_ =	sdelay $0x3  }
0x92: {  	_ =	strace s18  }
0x93: {  	s3 =	sld [smem:$0x3FFC];
	_ =	sdelay $0x3  }
0x94: {  	_ =	strace s3  }
0x95: {  	s3 =	sld [smem:$0x3FFD];
	_ =	sdelay $0x3  }
0x96: {  	_ =	strace s3  }
0x97: {  	_ =	strace $0x8FFFFFFF  }
0x98: {  	s19 =	sld [smem:$0x3FDB];
	_ =	sdelay $0x1  }
0x99: {  	s4 =	simm.s32 $_scs_section_size  }
0x9a: {  	s5 =	simm.s32 $_size__tile_overlayer_lowered;
	s6 =	simm.s32 $_tile_overlayer_lowered  }
0x9b: {  	s22 =	simm.s32 $0x1BFF;
	s21 =	sshll.u32 s6, $0x1;
	s3 =	sadd.s32 s4, s19  }
0x9c: {  	s7 =	simm.s32 $0x0;
	s20 =	sshll.u32 s5, $0x1;
	s5 =	sadd.s32 s21, s3  }
0x9d: {  	[timem:s7], [sflag:s22] =	dma.local [hbm:s5], s20  }
0x9e: {  	_ =	swait.ge [sflag:s22], s20  }
0x9f: {  	s4 =	ssub.s32 $0x0, s20;
	[sflag:s22] =	ssyncset.done $0x0  }
0xa0: {  	[sflag:s22] =	ssyncadd.s32 s4;
	_ =	sdelay $0x1  }
0xa1: {  	s23 =	simm.s32 $0x1B8B  }
0xa2: {  	_ =	swait.ge [sflag:s23], $0x1  }
0xa3: {  	[sflag:s23] =	ssyncset.done $0x0  }
0xa4: {  	s25 =	simm.s32 $0x1B8E;
	s24 =	sld [smem:$0x3FFE];
	[sflag:s23] =	ssyncadd.s32 $0xFFFFFFFF  }
0xa5: {  	s26 =	simm.s32 $execute0_lowered;
	[smem:$0x3FD2] =	sst s25  }
0xa6: {  	s5 =	sshll.u32 s26, $0x1;
	_ =	strace $0x80000049;
	[dreg:$0x1] =	wrdreg $0xFFFFFFFF  }
0xa7: {  	s28 =	simm.s32 $_size_execute0_lowered;
	s3 =	sadd.s32 s3, s5;
	[dreg:$0x0] =	wrdreg $0x0  }
0xa8: {  	s5 =	sshll.u32 s28, $0x1;
	[dreg:$0x2] =	wrdreg s3  }
0xa9: {  	[dreg:$0x3] =	wrdreg s5  }
0xaa: {  	[dreg:$0x4] =	wrdreg $0xC0  }
0xab: {  	_ =	task [dreg:s7], $0x5FFFF  }
0xac: {  	[dreg:$0x1] =	wrdreg $0xFFFFFFFF  }
0xad: {  	[dreg:$0x0] =	wrdreg $0x60  }
0xae: {  	[dreg:$0x2] =	wrdreg s24  }
0xaf: {  	[dreg:$0x3] =	wrdreg s2  }
0xb0: {  	[dreg:$0x4] =	wrdreg $0x9  }
0xb1: {  	_ =	task.clear_ibuf [dreg:s7], $0x5FFFF;
	_ =	strace $0x90000049  }
0xb2: {  	s29 =	simm.s32 $0x9;
	_ =	strace $0x8000004B  }
0xb3: {  	_ =	swait.ge [sflag:s29], $0x1  }
0xb4: {  	[sflag:s29] =	ssyncadd.s32 $0xFFFFFFFF  }
0xb5: {  	_ =	strace $0x9000004B  }
0xb6: {  	_ =	sfence  }
0xb7: {  	s30 =	sld [smem:$0x0];
	_ =	sdelay $0x2  }
0xb8: {  	s31 =	sshll.u32 s1, $0xD;
	s1 =	sshrl.u32 s1, $0x2  }
0xb9: {  	s3 =	sand.u32 $0x4000, s31;
	s1 =	sadd.s32 s1, s30  }
0xba: {  	s0 =	sor.u32 s3, s0;
	s1 =	sshll.u32 s1, $0x11  }
0xbb: {  	s0 =	sor.u32 s1, s0  }
0xbc: {  	s0 =	sadd.s32 $0x8F2B, s0  }
0xbd: {  	[sflag:s0] =	ssyncadd.remote.s32 $0x1  }
0xbe: {  	_ =	sfence.sel $0xFFFF  }
0xbf: {  	[dreg:$0x0] =	wrdreg $0xFFFFFFFF;
	(pc) =	sbr.abs _section_cstart, $3  }
0xc0: {  	[dreg:$0x1] =	wrdreg $0xFFFFFFFF  }
0xc1: {  	_ =	task.clear_ibuf [dreg:s7], $0x2FFFF;
	_ =	strace $0x9FFFFFFF  }
0xc2: {  	(tm) =	ssettm $0x7FFFFFFF  }
0xc3: {  	_ =	shalt  }
tec
execute0_lowered:
.L_overlay_start_1:
0x0: {  	(tag) =	ssettag $0x1  }
0x1: {  	s1 =	srdreg.scid;
	s0 =	stileid.u32  }
0x2: {  	s2 =	rddreg [dreg:$0x0];
	s30 =	sand.u32 $0x1, s1;
	s25 =	sshll.u32 s0, $0x1  }
0x3: {  	s4 =	rddreg [dreg:$0x1];
	s6 =	simm.s32 $0x0;
	s3 =	sor.u32 s30, s25  }
0x4: {  	[smem:$0x7FF] =	sst s6;
	s1 =	sshll.u32 s0, $0x6;
	s5 =	smul.u32 $0x6000, s3  }
0x5: {  	s7 =	sadd.s32 $0x18A00, s2;
	_ =	strace $0x8000004A;
	s8 =	sor.u32 $0x1C02, s1  }
0x6: {  	s3 =	smul.u32 $0xBA000, s3;
	[dreg:$0x5] =	wrdreg s8;
	s5 =	sshrl.u32 s5, $0x3  }
0x7: {  	s15 =	rddreg [dreg:$0x5];
	s26 =	sadd.s32 s7, s5  }
0x8: {  	s3 =	sshrl.u32 s3, $0x3;
	s2 =	sadd.s32 s5, s2;
	s6 =	sadd.s32 $0x2E8000, s26  }
0x9: {  	s0 =	sadd.s32 s7, s3;
	s2 =	sadd.s32 $0xA00, s2;
	[dreg:$0x3] =	wrdreg s6  }
0xa: {  	s10 =	sadd.s32 $0x1740, s0;
	[dreg:$0x4] =	wrdreg s2  }
0xb: {  	s12 =	sadd.s32 $0x2E80, s0;
	[dreg:$0x7] =	wrdreg s10  }
0xc: {  	s26 =	sadd.s32 s4, s3;
	s16 =	sadd.s32 $0x45C0, s0;
	[dreg:$0x9] =	wrdreg s12  }
0xd: {  	s9 =	sadd.s32 $0x18000, s26;
	[dreg:$0xb] =	wrdreg s16  }
0xe: {  	s3 =	sor.u32 $0x1C01, s1;
	s11 =	sadd.s32 $0x19740, s26;
	[dreg:$0x6] =	wrdreg s9  }
0xf: {  	s20 =	sadd.s32 $0x5D00, s0;
	s13 =	sadd.s32 $0x1AE80, s26;
	[dreg:$0x8] =	wrdreg s11  }
0x10: {  	s25 =	sadd.s32 $0xE880, s0;
	s29 =	sadd.s32 $0xFFC0, s0;
	[dreg:$0xa] =	wrdreg s13  }
0x11: {  	s31 =	sadd.s32 $0x11700, s0;
	s18 =	sadd.s32 $0x1C5C0, s26;
	s14 =	rddreg [dreg:$0x3]  }
0x12: {  	s8 =	sadd.s32 $0x1DD00, s26;
	s10 =	sadd.s32 $0x1F440, s26;
	s17 =	rddreg [dreg:$0x4]  }
0x13: {  	s16 =	sadd.s32 $0xBA00, s0;
	s23 =	sadd.s32 $0x25140, s26;
	[dreg:$0xc] =	wrdreg s18  }
0x14: {  	[hbm:s14], [sflag:s15] =	dma.local [hbm:s17], $0xC00  }
0x15: {  	s28 =	sadd.s32 $0x26880, s26;
	s1 =	sadd.s32 $0x27FC0, s26;
	s4 =	rddreg [dreg:$0x6]  }
0x16: {  	[hbm:s0], [sflag:s3] =	dma.local [hbm:s4], $0x1740  }
0x17: {  	s2 =	sadd.s32 $0x29700, s26;
	s24 =	sadd.s32 $0x2AE40, s26;
	s4 =	rddreg [dreg:$0x7]  }
0x18: {  	s9 =	sadd.s32 $0x7440, s0;
	s13 =	sadd.s32 $0x8B80, s0;
	s19 =	rddreg [dreg:$0x8]  }
0x19: {  	[hbm:s4], [sflag:s3] =	dma.local [hbm:s19], $0x1740  }
0x1a: {  	s18 =	sadd.s32 $0x23A00, s26;
	s6 =	smov.u32 s8;
	s11 =	rddreg [dreg:$0x9]  }
0x1b: {  	s5 =	smov.u32 s24;
	s14 =	sadd.s32 $0x20B80, s26;
	s12 =	rddreg [dreg:$0xa]  }
0x1c: {  	[hbm:s11], [sflag:s3] =	dma.local [hbm:s12], $0x1740  }
0x1d: {  	s15 =	sadd.s32 $0xA2C0, s0;
	s17 =	sadd.s32 $0x222C0, s26;
	s21 =	rddreg [dreg:$0xb]  }
0x1e: {  	s19 =	sadd.s32 $0xD140, s0;
	s4 =	sadd.s32 $0x12E40, s0;
	s22 =	rddreg [dreg:$0xc]  }
0x1f: {  	[hbm:s21], [sflag:s3] =	dma.local [hbm:s22], $0x1740  }
0x20: {  	s11 =	smov.u32 s15;
	s12 =	smov.u32 s17;
	[dreg:$0xd] =	wrdreg s20  }
0x21: {  	[hbm:s20], [sflag:s3] =	dma.local [hbm:s8], $0x1740  }
0x22: {  	[hbm:s9], [sflag:s3] =	dma.local [hbm:s10], $0x1740  }
0x23: {  	[hbm:s13], [sflag:s3] =	dma.local [hbm:s14], $0x1740  }
0x24: {  	s8 =	smov.u32 s10;
	s10 =	smov.u32 s14;
	s14 =	smov.u32 s18  }
0x25: {  	[hbm:s15], [sflag:s3] =	dma.local [hbm:s17], $0x1740  }
0x26: {  	[hbm:s16], [sflag:s3] =	dma.local [hbm:s18], $0x1740  }
0x27: {  	s15 =	smov.u32 s19;
	s17 =	smov.u32 s25;
	s18 =	smov.u32 s28  }
0x28: {  	[hbm:s19], [sflag:s3] =	dma.local [hbm:s23], $0x1740  }
0x29: {  	[hbm:s25], [sflag:s3] =	dma.local [hbm:s28], $0x1740  }
0x2a: {  	s19 =	smov.u32 s29;
	s25 =	sadd.s32 $0x2C580, s26;
	s26 =	sadd.s32 $0x2DCC0, s26  }
0x2b: {  	[hbm:s29], [sflag:s3] =	dma.local [hbm:s1], $0x1740  }
0x2c: {  	[hbm:s31], [sflag:s3] =	dma.local [hbm:s2], $0x1740  }
0x2d: {  	[hbm:s4], [sflag:s3] =	dma.local [hbm:s24], $0x1740  }
0x2e: {  	s28 =	sadd.s32 $0x15CC0, s0;
	s29 =	simm.s32 $0x1;
	s24 =	sadd.s32 $0x14580, s0  }
0x2f: {  	[hbm:s24], [sflag:s3] =	dma.local [hbm:s25], $0x1740  }
0x30: {  	[hbm:s28], [sflag:s3] =	dma.local [hbm:s26], $0x1740  }
0x31: {  	_ =	swait.ge [sflag:s29], $0x1740  }
0x32: {  	[sflag:s29] =	ssyncset.done $0x0  }
0x33: {  	[sflag:s29] =	ssyncadd.s32 $0xFFFFE8C0  }
0x34: {  	_ =	swait.ge [sflag:s29], $0x1740  }
0x35: {  	[sflag:s29] =	ssyncset.done $0x0  }
0x36: {  	[sflag:s29] =	ssyncadd.s32 $0xFFFFE8C0  }
0x37: {  	_ =	swait.ge [sflag:s29], $0x1740  }
0x38: {  	[sflag:s29] =	ssyncset.done $0x0  }
0x39: {  	[sflag:s29] =	ssyncadd.s32 $0xFFFFE8C0  }
0x3a: {  	_ =	swait.ge [sflag:s29], $0x1740  }
0x3b: {  	[sflag:s29] =	ssyncset.done $0x0  }
0x3c: {  	[sflag:s29] =	ssyncadd.s32 $0xFFFFE8C0  }
0x3d: {  	_ =	swait.ge [sflag:s29], $0x1740  }
0x3e: {  	[sflag:s29] =	ssyncset.done $0x0  }
0x3f: {  	[sflag:s29] =	ssyncadd.s32 $0xFFFFE8C0  }
0x40: {  	_ =	swait.ge [sflag:s29], $0x1740  }
0x41: {  	[sflag:s29] =	ssyncset.done $0x0  }
0x42: {  	[sflag:s29] =	ssyncadd.s32 $0xFFFFE8C0  }
0x43: {  	_ =	swait.ge [sflag:s29], $0x1740  }
0x44: {  	[sflag:s29] =	ssyncset.done $0x0  }
0x45: {  	[sflag:s29] =	ssyncadd.s32 $0xFFFFE8C0  }
0x46: {  	_ =	swait.ge [sflag:s29], $0x1740  }
0x47: {  	[sflag:s29] =	ssyncset.done $0x0  }
0x48: {  	[sflag:s29] =	ssyncadd.s32 $0xFFFFE8C0  }
0x49: {  	_ =	swait.ge [sflag:s29], $0x1740  }
0x4a: {  	[sflag:s29] =	ssyncset.done $0x0  }
0x4b: {  	[sflag:s29] =	ssyncadd.s32 $0xFFFFE8C0  }
0x4c: {  	_ =	swait.ge [sflag:s29], $0x1740  }
0x4d: {  	[sflag:s29] =	ssyncset.done $0x0  }
0x4e: {  	[sflag:s29] =	ssyncadd.s32 $0xFFFFE8C0  }
0x4f: {  	_ =	swait.ge [sflag:s29], $0x1740  }
0x50: {  	[sflag:s29] =	ssyncset.done $0x0  }
0x51: {  	[sflag:s29] =	ssyncadd.s32 $0xFFFFE8C0  }
0x52: {  	_ =	swait.ge [sflag:s29], $0x1740  }
0x53: {  	[sflag:s29] =	ssyncset.done $0x0  }
0x54: {  	[sflag:s29] =	ssyncadd.s32 $0xFFFFE8C0  }
0x55: {  	_ =	swait.ge [sflag:s29], $0x1740  }
0x56: {  	s30 =	ssub.s32 $0x2, s30;
	[sflag:s29] =	ssyncset.done $0x0  }
0x57: {  	s21 =	smov.u32 s31;
	s31 =	sshrl.u32 s30, $0x1;
	[sflag:s29] =	ssyncadd.s32 $0xFFFFE8C0  }
0x58: {  	s30 =	ssub.s32 s30, s31;
	_ =	swait.ge [sflag:s29], $0x1740  }
0x59: {  	s30 =	smax.u32 s30, $0x1;
	[sflag:s29] =	ssyncset.done $0x0  }
0x5a: {  	p0 =	sne.s32 s30, $0x1;
	[sflag:s29] =	ssyncadd.s32 $0xFFFFE8C0  }
.Ltmp0:
0x5b: {  	_ =	swait.ge [sflag:s29], $0x1740;
	(pc) =	sbr.rel @!p0 .LBB2_3-.Ltmp0, $4  }
0x5c: {  	[sflag:s29] =	ssyncset.done $0x0  }
0x5d: {  	s7 =	smov.u32 s9;
	s9 =	smov.u32 s13;
	[sflag:s29] =	ssyncadd.s32 $0xFFFFE8C0  }
0x5e: {  	s13 =	smov.u32 s16;
	s16 =	smov.u32 s23;
	_ =	swait.ge [sflag:s29], $0x1740  }
0x5f: {  	s31 =	sadd.s32 $0xFFFFFFFF, s30;
	s30 =	simm.s32 $0x2;
	[sflag:s29] =	ssyncset.done $0x0  }
0x60: {  	s20 =	smov.u32 s1  }
0x61: {  	s22 =	smov.u32 s2;
	s23 =	smov.u32 s4;
	s4 =	smov.u32 s0  }
.LBB2_2:
0x62: {  	[sflag:s29] =	ssyncadd.s32 $0xFFFFE8C0  }
0x63: {  	_ =	swait.ge [sflag:s30], $0xC00  }
0x64: {  	s1 =	rddreg [dreg:$0x3]  }
0x65: {  	[sflag:s30] =	ssyncset.done $0x0;
	s0 =	rddreg [dreg:$0x5]  }
0x66: {  	s2 =	rddreg [dreg:$0x4];
	[sflag:s30] =	ssyncadd.s32 $0xFFFFF400  }
0x67: {  	[hbm:s1], [sflag:s0] =	dma.local [hbm:s2], $0xC00  }
0x68: {  	s0 =	rddreg [dreg:$0x6]  }
0x69: {  	[hbm:s4], [sflag:s3] =	dma.local [hbm:s0], $0x1740  }
0x6a: {  	s0 =	rddreg [dreg:$0x7]  }
0x6b: {  	s2 =	rddreg [dreg:$0x8]  }
0x6c: {  	[hbm:s0], [sflag:s3] =	dma.local [hbm:s2], $0x1740  }
0x6d: {  	s0 =	rddreg [dreg:$0x9]  }
0x6e: {  	s1 =	rddreg [dreg:$0xa]  }
0x6f: {  	[hbm:s0], [sflag:s3] =	dma.local [hbm:s1], $0x1740  }
0x70: {  	s0 =	rddreg [dreg:$0xb]  }
0x71: {  	s1 =	rddreg [dreg:$0xc]  }
0x72: {  	[hbm:s0], [sflag:s3] =	dma.local [hbm:s1], $0x1740  }
0x73: {  	s0 =	rddreg [dreg:$0xd]  }
0x74: {  	[hbm:s0], [sflag:s3] =	dma.local [hbm:s6], $0x1740  }
0x75: {  	[hbm:s7], [sflag:s3] =	dma.local [hbm:s8], $0x1740  }
0x76: {  	[hbm:s9], [sflag:s3] =	dma.local [hbm:s10], $0x1740  }
0x77: {  	[hbm:s11], [sflag:s3] =	dma.local [hbm:s12], $0x1740  }
0x78: {  	[hbm:s13], [sflag:s3] =	dma.local [hbm:s14], $0x1740  }
0x79: {  	[hbm:s15], [sflag:s3] =	dma.local [hbm:s16], $0x1740  }
0x7a: {  	[hbm:s17], [sflag:s3] =	dma.local [hbm:s18], $0x1740  }
0x7b: {  	[hbm:s19], [sflag:s3] =	dma.local [hbm:s20], $0x1740  }
0x7c: {  	[hbm:s21], [sflag:s3] =	dma.local [hbm:s22], $0x1740  }
0x7d: {  	[hbm:s23], [sflag:s3] =	dma.local [hbm:s5], $0x1740  }
0x7e: {  	[hbm:s24], [sflag:s3] =	dma.local [hbm:s25], $0x1740  }
0x7f: {  	[hbm:s28], [sflag:s3] =	dma.local [hbm:s26], $0x1740  }
0x80: {  	_ =	swait.ge [sflag:s29], $0x1740  }
0x81: {  	[sflag:s29] =	ssyncset.done $0x0  }
0x82: {  	[sflag:s29] =	ssyncadd.s32 $0xFFFFE8C0  }
0x83: {  	_ =	swait.ge [sflag:s29], $0x1740  }
0x84: {  	[sflag:s29] =	ssyncset.done $0x0  }
0x85: {  	[sflag:s29] =	ssyncadd.s32 $0xFFFFE8C0  }
0x86: {  	_ =	swait.ge [sflag:s29], $0x1740  }
0x87: {  	[sflag:s29] =	ssyncset.done $0x0  }
0x88: {  	[sflag:s29] =	ssyncadd.s32 $0xFFFFE8C0  }
0x89: {  	_ =	swait.ge [sflag:s29], $0x1740  }
0x8a: {  	[sflag:s29] =	ssyncset.done $0x0  }
0x8b: {  	[sflag:s29] =	ssyncadd.s32 $0xFFFFE8C0  }
0x8c: {  	_ =	swait.ge [sflag:s29], $0x1740  }
0x8d: {  	[sflag:s29] =	ssyncset.done $0x0  }
0x8e: {  	[sflag:s29] =	ssyncadd.s32 $0xFFFFE8C0  }
0x8f: {  	_ =	swait.ge [sflag:s29], $0x1740  }
0x90: {  	[sflag:s29] =	ssyncset.done $0x0  }
0x91: {  	[sflag:s29] =	ssyncadd.s32 $0xFFFFE8C0  }
0x92: {  	_ =	swait.ge [sflag:s29], $0x1740  }
0x93: {  	[sflag:s29] =	ssyncset.done $0x0  }
0x94: {  	[sflag:s29] =	ssyncadd.s32 $0xFFFFE8C0  }
0x95: {  	_ =	swait.ge [sflag:s29], $0x1740  }
0x96: {  	[sflag:s29] =	ssyncset.done $0x0  }
0x97: {  	[sflag:s29] =	ssyncadd.s32 $0xFFFFE8C0  }
0x98: {  	_ =	swait.ge [sflag:s29], $0x1740  }
0x99: {  	[sflag:s29] =	ssyncset.done $0x0  }
0x9a: {  	[sflag:s29] =	ssyncadd.s32 $0xFFFFE8C0  }
0x9b: {  	_ =	swait.ge [sflag:s29], $0x1740  }
0x9c: {  	[sflag:s29] =	ssyncset.done $0x0  }
0x9d: {  	[sflag:s29] =	ssyncadd.s32 $0xFFFFE8C0  }
0x9e: {  	_ =	swait.ge [sflag:s29], $0x1740  }
0x9f: {  	[sflag:s29] =	ssyncset.done $0x0  }
0xa0: {  	[sflag:s29] =	ssyncadd.s32 $0xFFFFE8C0  }
0xa1: {  	_ =	swait.ge [sflag:s29], $0x1740  }
0xa2: {  	[sflag:s29] =	ssyncset.done $0x0  }
0xa3: {  	[sflag:s29] =	ssyncadd.s32 $0xFFFFE8C0  }
0xa4: {  	_ =	swait.ge [sflag:s29], $0x1740  }
0xa5: {  	[sflag:s29] =	ssyncset.done $0x0  }
0xa6: {  	[sflag:s29] =	ssyncadd.s32 $0xFFFFE8C0  }
0xa7: {  	_ =	swait.ge [sflag:s29], $0x1740  }
0xa8: {  	[sflag:s29] =	ssyncset.done $0x0  }
0xa9: {  	p0 =	sne.s32 s31, $0x1;
	[sflag:s29] =	ssyncadd.s32 $0xFFFFE8C0  }
.Ltmp1:
0xaa: {  	_ =	swait.ge [sflag:s29], $0x1740;
	(pc) =	sbr.rel @p0 .LBB2_2-.Ltmp1, $4  }
0xab: {  	[sflag:s29] =	ssyncset.done $0x0  }
0xac: {  	[sflag:s29] =	ssyncadd.s32 $0xFFFFE8C0  }
0xad: {  	_ =	swait.ge [sflag:s29], $0x1740  }
0xae: {  	s31 =	sadd.s32 $0xFFFFFFFF, s31;
	[sflag:s29] =	ssyncset.done $0x0  }
.LBB2_3:
0xaf: {  	[sflag:s29] =	ssyncadd.s32 $0xFFFFE8C0  }
0xb0: {  	_ =	swait.ge [sflag:s30], $0xC00  }
0xb1: {  	[sflag:s30] =	ssyncset.done $0x0  }
0xb2: {  	[sflag:s30] =	ssyncadd.s32 $0xFFFFF400  }
0xb3: {  	_ =	sfence.sel $0x180000  }
0xb4: {  	[bflag:$0x0] =	sbarrier.arrive $0xFFFF  }
0xb5: {  	_ =	strace $0x9000004A  }
0xb6: {  	s0 =	stileid.u32;
	[bflag:$0x2] =	sbarrier.arrive $0xFFFF  }
0xb7: {  	p0 =	sne.s32 s0, $0x0;
	s0 =	rddreg [dreg:$0x2]  }
0xb8: {  	s0 =	sadd.s32 @!p0 $0x100000, s0  }
0xb9: {  	[sflag:s0] =	ssyncadd.tile.s32 @!p0 $0x1;
	_ =	shalt  }
.Lfunc_end2:
_tile_overlayer_lowered:
.L_overlay_start_2:
0xba: {  	(tag) =	ssettag $0x2  }
0xbb: {  	s0 =	rddreg [dreg:$0x0];
	s2 =	stileid.u32  }
0xbc: {  	s1 =	rddreg [dreg:$0x1];
	p0 =	sne.s32 s2, $0x0  }
0xbd: {  	s3 =	rddreg [dreg:$0x2];
	[bflag:$0x3] =	sbarrier.arrive $0xFFFF;
	s2 =	simm.s32 @!p0 $0x1C03  }
0xbe: {  	[timem:s3], [sflag:s2] =	dma.local @!p0 [hbm:s0], s1  }
0xbf: {  	s0 =	simm.s32 @!p0 $0x3  }
0xc0: {  	_ =	swait.ge @!p0 [sflag:s0], s1  }
0xc1: {  	s1 =	ssub.s32 @!p0 $0x0, s1;
	[sflag:s0] =	ssyncset.done @!p0 $0x0  }
0xc2: {  	[sflag:s0] =	ssyncadd.s32 @!p0 s1  }
0xc3: {  	[bflag:$0x3] =	sbarrier.arrive $0xFFFF  }
0xc4: {  	_ =	shalt  }

// kernel: sparse-core-data-format-call.cloned.1.call-start
scs
called_computation_lowered:
.L_overlay_start_0:
0x0: {  	s2 =	sld [smem:$0x3FD9]  }
0x1: {  	s3 =	sld [smem:$0x3FFE];
	_ =	sdelay $0x1  }
0x2: {  	s1 =	srdreg.scid  }
0x3: {  	s0 =	sand.u32 $0x1, s1  }
0x4: {  	s19 =	sshll.u32 s0, $0xA;
	s2 =	sadd.s32 s3, s2  }
0x5: {  	s2 =	sadd.s32 s2, s19  }
0x6: {  	[smem:$0x3FC6] =	sst s2  }
0x7: {  	_ = 	snop  }
0x8: {  	s2 =	sld [smem:$0x3FC8]  }
0x9: {  	s20 =	sld [smem:$0x3FD0];
	(tm) =	ssettm $0x1  }
0xa: {  	s4 =	sld [smem:$0x3FFB];
	_ =	sdelay $0x3  }
0xb: {  	_ =	strace s4  }
0xc: {  	s4 =	sld [smem:$0x3FFC];
	_ =	sdelay $0x3  }
0xd: {  	_ =	strace s4  }
0xe: {  	s4 =	sld [smem:$0x3FFD];
	_ =	sdelay $0x3  }
0xf: {  	_ =	strace s4  }
0x10: {  	_ =	strace $0x8FFFFFFF  }
0x11: {  	s21 =	sld [smem:$0x3FDB];
	_ =	sdelay $0x1  }
0x12: {  	s5 =	simm.s32 $_scs_section_size  }
0x13: {  	s6 =	simm.s32 $_size__tile_overlayer_lowered;
	s7 =	simm.s32 $_tile_overlayer_lowered  }
0x14: {  	s24 =	simm.s32 $0x1BFF;
	s23 =	sshll.u32 s7, $0x1;
	s4 =	sadd.s32 s5, s21  }
0x15: {  	s8 =	simm.s32 $0x0;
	s22 =	sshll.u32 s6, $0x1;
	s6 =	sadd.s32 s23, s4  }
0x16: {  	[timem:s8], [sflag:s24] =	dma.local [hbm:s6], s22  }
0x17: {  	_ =	swait.ge [sflag:s24], s22  }
0x18: {  	s5 =	ssub.s32 $0x0, s22;
	[sflag:s24] =	ssyncset.done $0x0  }
0x19: {  	[sflag:s24] =	ssyncadd.s32 s5;
	_ =	sdelay $0x1  }
0x1a: {  	s25 =	simm.s32 $0x1B8B  }
0x1b: {  	_ =	swait.ge [sflag:s25], $0x1  }
0x1c: {  	[sflag:s25] =	ssyncset.done $0x0  }
0x1d: {  	s26 =	simm.s32 $0x1B8E;
	[sflag:s25] =	ssyncadd.s32 $0xFFFFFFFF  }
0x1e: {  	s27 =	simm.s32 $execute0_lowered;
	[smem:$0x3FD2] =	sst s26  }
0x1f: {  	s5 =	sshll.u32 s27, $0x1;
	_ =	strace $0x80000046;
	[dreg:$0x1] =	wrdreg $0xFFFFFFFF  }
0x20: {  	s28 =	simm.s32 $_size_execute0_lowered;
	s4 =	sadd.s32 s4, s5;
	[dreg:$0x0] =	wrdreg $0x0  }
0x21: {  	s5 =	sshll.u32 s28, $0x1;
	[dreg:$0x2] =	wrdreg s4  }
0x22: {  	[dreg:$0x3] =	wrdreg s5  }
0x23: {  	[dreg:$0x4] =	wrdreg $0xC0  }
0x24: {  	_ =	task [dreg:s8], $0x5FFFF  }
0x25: {  	[dreg:$0x1] =	wrdreg $0xFFFFFFFF  }
0x26: {  	[dreg:$0x0] =	wrdreg $0x60  }
0x27: {  	[dreg:$0x2] =	wrdreg s2  }
0x28: {  	[dreg:$0x3] =	wrdreg s20  }
0x29: {  	[dreg:$0x4] =	wrdreg $0x9  }
0x2a: {  	_ =	task.clear_ibuf [dreg:s8], $0x5FFFF;
	_ =	strace $0x90000046  }
0x2b: {  	s29 =	simm.s32 $0x9;
	_ =	strace $0x80000048  }
0x2c: {  	_ =	swait.ge [sflag:s29], $0x1  }
0x2d: {  	[sflag:s29] =	ssyncadd.s32 $0xFFFFFFFF  }
0x2e: {  	_ =	strace $0x90000048  }
0x2f: {  	_ =	sfence  }
0x30: {  	s30 =	sld [smem:$0x0];
	_ =	sdelay $0x2  }
0x31: {  	s31 =	sshll.u32 s1, $0xD;
	s1 =	sshrl.u32 s1, $0x2  }
0x32: {  	s3 =	sand.u32 $0x4000, s31;
	s1 =	sadd.s32 s1, s30  }
0x33: {  	s0 =	sor.u32 s3, s0;
	s1 =	sshll.u32 s1, $0x11  }
0x34: {  	s0 =	sor.u32 s1, s0  }
0x35: {  	s0 =	sadd.s32 $0x8F2B, s0  }
0x36: {  	[sflag:s0] =	ssyncadd.remote.s32 $0x1  }
0x37: {  	_ =	sfence.sel $0xFFFF  }
0x38: {  	[dreg:$0x0] =	wrdreg $0xFFFFFFFF;
	(pc) =	sbr.abs _section_cstart, $3  }
0x39: {  	[dreg:$0x1] =	wrdreg $0xFFFFFFFF  }
0x3a: {  	_ =	task.clear_ibuf [dreg:s8], $0x2FFFF;
	_ =	strace $0x9FFFFFFF  }
0x3b: {  	(tm) =	ssettm $0x7FFFFFFF  }
tec
execute0_lowered:
.L_overlay_start_1:
0x0: {  	(tag) =	ssettag $0x1  }
0x1: {  	s0 =	srdreg.scid  }
0x2: {  	s1 =	sshll.u32 s0, $0x4  }
0x3: {  	s2 =	rddreg [dreg:$0x0];
	s0 =	stileid.u32;
	s1 =	sand.u32 $0x10, s1  }
0x4: {  	s4 =	rddreg [dreg:$0x1];
	s1 =	sor.u32 s0, s1  }
0x5: {  	s7 =	simm.s32 $0x1;
	s8 =	simm.s32 $0x2;
	s3 =	sshll.u32 s1, $0x2  }
0x6: {  	s9 =	simm.s32 $0x0;
	s12 =	simm.s32 $0x0;
	s6 =	ssub.s32 $0x1800, s3  }
.Ltmp0:
0x7: {  	s11 =	simm.s32 $0x0;
	s5 =	sand.u32 $0x7C, s6;
	(pc) =	sbr.rel .LBB1_1-.Ltmp0, $4  }
0x8: {  	s1 =	rddreg [dreg:$0x2];
	_ =	strace $0x80000047;
	p0 =	sne.s32 s5, $0x0  }
0x9: {  	s6 =	sshrl.u32 s6, $0x7;
	s5 =	simm.s32 $0x1;
	s7 =	simm.s32 @!p0 $0x0  }
0xa: {  	s10 =	smov.u32 s3;
	[sflag:s5] =	ssyncpa.u1 $0x0;
	s6 =	sadd.s32 s7, s6  }
0xb: {  	[sflag:s8] =	ssyncpa.u1 $0x0;
	s8 =	simm.s32 $0x0;
	s7 =	sadd.s32 $0x1, s6  }
.LBB1_9:
0xc: {  	s14 =	sadd.s32 $0x80, s10  }
0xd: {  	p1 =	sgt.s32 s14, $0x17FF  }
0xe: {  	s14 =	smov.u32 @p1 s3;
	p1 =	sne.s32 s11, s7  }
.Ltmp1:
0xf: {  	p0 =	slt.u32 s11, $0x2;
	(pc) =	sbr.rel @!p1 .LBB1_10-.Ltmp1, $4  }
0x10: {  	s13 =	simm.s32 @!p0 $0x2  }
0x11: {  	s15 =	sadd.s32 $0x1, s11;
	_ =	swait.ge @!p0 [sflag:s13], $0x4000  }
0x12: {  	s12 =	smov.u32 s10;
	s9 =	sadd.s32 $0x4000, s9;
	[sflag:s13] =	ssyncset.done @!p0 $0x0  }
0x13: {  	s11 =	smov.u32 s15;
	s10 =	smov.u32 s14;
	[sflag:s13] =	ssyncadd.s32 @!p0 $0xFFFFC000  }
.LBB1_1:
0x14: {  	p0 =	sge.u32 s11, s6  }
0x15: {  	s13 =	sxor.u32 @!p0 $0xFFFFFFFF, s11  }
0x16: {  	s31 =	sadd.s32 $0xFFFFFFFF, s11;
	s14 =	sshll.u32 @!p0 s10, $0x9;
	s13 =	sshll.u32 @!p0 s13, $0xE  }
0x17: {  	s15 =	simm.s32 @!p0 $0x0;
	s14 =	sadd.s32 @!p0 s2, s14;
	s13 =	sand.u32 @!p0 $0x4000, s13  }
0x18: {  	[tilespmem:s13], [sflag:$0x1] =	stream.linear.gather @!p0 [hbm4b:s14+s15], $0x4000, $0x38;
	[tilespmem:$0x10000] =	vst v63  }
0x19: {  	p0 =	sge.u32 s31, s6  }
.Ltmp2:
0x1a: {  	_ = 	snop;
	(pc) =	sbr.rel @p0 .LBB1_9-.Ltmp2, $1  }
0x1b: {  	_ =	sdelay $0x3  }
0x1c: {  	s14 =	sand.u32 $0x4000, s9  }
0x1d: {  	_ =	swait.ge [sflag:s5], $0x4000;
	s15 =	sshll.u32 s11, $0xE;
	s16 =	simm.s32 $0x0  }
0x1e: {  	s13 =	sor.u32 $0x40, s14;
	[sflag:s5] =	ssyncset.done $0x0;
	s15 =	sand.u32 $0x4000, s15  }
0x1f: {  	s14 =	sor.u32 $0x8040, s14;
	[sflag:s5] =	ssyncadd.s32 $0xFFFFC000;
	s15 =	sor.u32 $0x8000, s15  }
.LBB1_3:
0x20: {  	s17 =	smov.u32 s14;
	s18 =	smov.u32 s13;
	s19 =	simm.s32 $0x0  }
.LBB1_4:
0x21: {  	v0 =	vmov s17;
	v2 =	vld [tilespmem:s18+$0x30]  }
0x22: {  	v4 =	vld [tilespmem:s18+$0xFFFFFFD0]  }
0x23: {  	v6 =	vld [tilespmem:s18+$0xFFFFFFE0]  }
0x24: {  	v7 =	vld [tilespmem:s18+$0xFFFFFFF0]  }
0x25: {  	s20 =	simm.s32 $0x0;
	v1 =	vld [tilespmem:s18+$0x0]  }
0x26: {  	v3 =	vld [tilespmem:s18+$0x10];
	[tilespmem:v0+s20+$0x30 ss:$0x1] =	vst.idx.msk $0xffff, v2  }
0x27: {  	v5 =	vld [tilespmem:s18+$0x20];
	[tilespmem:v0+s20+$0xFFFFFFD0 ss:$0x1] =	vst.idx.msk $0xffff, v4  }
0x28: {  	s21 =	sadd.s32 $0x80, s18;
	v2 =	vld [tilespmem:s18+$0xFFFFFFC0];
	[tilespmem:v0+s20+$0xFFFFFFE0 ss:$0x1] =	vst.idx.msk $0xffff, v6  }
0x29: {  	s22 =	simm.s32 $0x800;
	s23 =	simm.s32 $0x1000;
	v4 =	vld [tilespmem:s21+$0x30];
	[tilespmem:v0+s20+$0xFFFFFFF0 ss:$0x1] =	vst.idx.msk $0xffff, v7  }
.LBB1_5:
0x2a: {  	p0 =	sne.s32 s23, $0x3800;
	v6 =	vld [tilespmem:s21+$0xFFFFFFD0];
	[tilespmem:v0+s20+$0x0 ss:$0x1] =	vst.idx.msk $0xffff, v1  }
0x2b: {  	v7 =	vld [tilespmem:s21+$0xFFFFFFE0];
	[tilespmem:v0+s20+$0x10 ss:$0x1] =	vst.idx.msk $0xffff, v3  }
0x2c: {  	v8 =	vld [tilespmem:s21+$0xFFFFFFF0];
	[tilespmem:v0+s20+$0x20 ss:$0x1] =	vst.idx.msk $0xffff, v5  }
.Ltmp3:
0x2d: {  	v1 =	vld [tilespmem:s21+$0x0];
	[tilespmem:v0+s20+$0xFFFFFFC0 ss:$0x1] =	vst.idx.msk $0xffff, v2;
	s20 =	sshra.s32 s22, $0x2;
	s22 =	smov.u32 s23;
	(pc) =	sbr.rel @p0 .LBB1_5-.Ltmp3, $4  }
0x2e: {  	v3 =	vld [tilespmem:s21+$0x10];
	[tilespmem:v0+s20+$0x30 ss:$0x1] =	vst.idx.msk $0xffff, v4  }
0x2f: {  	[tilespmem:v0+s20+$0xFFFFFFD0 ss:$0x1] =	vst.idx.msk $0xffff, v6;
	v5 =	vld [tilespmem:s21+$0x20]  }
0x30: {  	v2 =	vld [tilespmem:s21+$0xFFFFFFC0];
	[tilespmem:v0+s20+$0xFFFFFFE0 ss:$0x1] =	vst.idx.msk $0xffff, v7;
	s21 =	sadd.s32 $0x80, s21  }
0x31: {  	s23 =	sadd.s32 $0x800, s23;
	v4 =	vld [tilespmem:s21+$0x30];
	[tilespmem:v0+s20+$0xFFFFFFF0 ss:$0x1] =	vst.idx.msk $0xffff, v8  }
0x32: {  	_ =	sdelay $0x3  }
0x33: {  	v6 =	vld [tilespmem:s21+$0xFFFFFFD0];
	[tilespmem:v0+s20+$0x0 ss:$0x1] =	vst.idx.msk $0xffff, v1  }
0x34: {  	v58 =	vld [tilespmem:s21+$0xFFFFFFE0];
	[tilespmem:v0+s20+$0x10 ss:$0x1] =	vst.idx.msk $0xffff, v3  }
0x35: {  	v59 =	vld [tilespmem:s21+$0xFFFFFFF0];
	[tilespmem:v0+s20+$0x20 ss:$0x1] =	vst.idx.msk $0xffff, v5  }
0x36: {  	s22 =	sshra.s32 s22, $0x2;
	v60 =	vld [tilespmem:s21+$0x0];
	[tilespmem:v0+s20+$0xFFFFFFC0 ss:$0x1] =	vst.idx.msk $0xffff, v2  }
0x37: {  	v61 =	vld [tilespmem:s21+$0x10];
	[tilespmem:v0+s22+$0x30 ss:$0x1] =	vst.idx.msk $0xffff, v4  }
0x38: {  	v62 =	vld [tilespmem:s21+$0x20];
	s19 =	sadd.s32 $0x1, s19;
	[tilespmem:v0+s22+$0xFFFFFFD0 ss:$0x1] =	vst.idx.msk $0xffff, v6  }
0x39: {  	v63 =	vld [tilespmem:s21+$0xFFFFFFC0];
	p0 =	sne.s32 s19, $0x4;
	[tilespmem:v0+s22+$0xFFFFFFE0 ss:$0x1] =	vst.idx.msk $0xffff, v58  }
.Ltmp4:
0x3a: {  	[tilespmem:v0+s22+$0xFFFFFFF0 ss:$0x1] =	vst.idx.msk $0xffff, v59;
	(pc) =	sbr.rel @p0 .LBB1_4-.Ltmp4, $4  }
0x3b: {  	[tilespmem:v0+s22+$0x0 ss:$0x1] =	vst.idx.msk $0xffff, v60  }
0x3c: {  	[tilespmem:v0+s22+$0x10 ss:$0x1] =	vst.idx.msk $0xffff, v61  }
0x3d: {  	[tilespmem:v0+s22+$0x20 ss:$0x1] =	vst.idx.msk $0xffff, v62  }
0x3e: {  	s18 =	sadd.s32 $0x400, s18;
	s17 =	sadd.s32 $0x80, s17;
	[tilespmem:v0+s22+$0xFFFFFFC0 ss:$0x1] =	vst.idx.msk $0xffff, v63  }
0x3f: {  	s16 =	sadd.s32 $0x1, s16  }
0x40: {  	p0 =	sne.s32 s16, $0x4  }
.Ltmp5:
0x41: {  	_ = 	snop;
	(pc) =	sbr.rel @p0 .LBB1_3-.Ltmp5, $2  }
0x42: {  	_ =	sdelay $0x2  }
0x43: {  	s13 =	sadd.s32 $0x1000, s13;
	s14 =	sadd.s32 $0x1000, s14  }
.Ltmp6:
0x44: {  	(pc) =	sbr.rel .LBB1_9-.Ltmp6, $4  }
0x45: {  	_ = 	snop  }
0x46: {  	s12 =	sshll.u32 s12, $0x9  }
0x47: {  	s12 =	sadd.s32 s4, s12  }
0x48: {  	[hbm4b:s12+s8] =	stream.linear.scatter [tilespmem:s15], [sflag:$0x2], $0x4000, $0x38;
	[tilespmem:$0x10000] =	vst v63  }
.LBB1_10:
0x49: {  	_ =	sfence.sel $0x180000  }
0x4a: {  	s2 =	simm.s32 $0x1;
	[bflag:$0x0] =	sbarrier.arrive $0xFFFF  }
0x4b: {  	s31 =	simm.s32 $0x2;
	[sflag:s2] =	ssyncpa.u1 $0x1  }
0x4c: {  	[sflag:s31] =	ssyncpa.u1 $0x1  }
0x4d: {  	p0 =	sne.s32 s0, $0x0;
	_ =	strace $0x90000047  }
0x4e: {  	s0 =	sadd.s32 @!p0 $0x100000, s1;
	[bflag:$0x2] =	sbarrier.arrive $0xFFFF  }
0x4f: {  	[sflag:s0] =	ssyncadd.tile.s32 @!p0 $0x1;
	_ =	shalt  }
.Lfunc_end1:
_tile_overlayer_lowered:
.L_overlay_start_2:
0x50: {  	(tag) =	ssettag $0x2  }
0x51: {  	s0 =	rddreg [dreg:$0x0];
	s2 =	stileid.u32  }
0x52: {  	s1 =	rddreg [dreg:$0x1];
	p0 =	sne.s32 s2, $0x0  }
0x53: {  	s3 =	rddreg [dreg:$0x2];
	[bflag:$0x3] =	sbarrier.arrive $0xFFFF;
	s2 =	simm.s32 @!p0 $0x1C01  }
0x54: {  	[timem:s3], [sflag:s2] =	dma.local @!p0 [hbm:s0], s1  }
0x55: {  	s0 =	simm.s32 @!p0 $0x1  }
0x56: {  	_ =	swait.ge @!p0 [sflag:s0], s1  }
0x57: {  	s1 =	ssub.s32 @!p0 $0x0, s1;
	[sflag:s0] =	ssyncset.done @!p0 $0x0  }
0x58: {  	[sflag:s0] =	ssyncadd.s32 @!p0 s1  }
0x59: {  	[bflag:$0x3] =	sbarrier.arrive $0xFFFF  }
0x5a: {  	_ =	shalt  }

</sc_bundles>
